<compile_context>
chip_gen: v7x
topology: tpu7x:2x2x1
jax: 0.10.2.dev20260603
libtpu: 0.0.44.dev20260713+nightly
codegen_flags: <defaults>
</compile_context>

<pallas_src>
import jax
import jax.numpy as jnp
import numpy as np
from jax import lax
from jax.experimental import pallas as pl
from jax.experimental.pallas import tpu as pltpu

R = 2
CB = 4


def _perm_matrix(L):
    P = np.zeros((L, L), dtype=np.float32)
    for l in range(L):
        p = (l & 64) | ((l & 1) << 5) | ((l & 63) >> 1)
        P[l, p] = 1.0
    return P


Z_OUT = 32


def _body(x_ref, p_ref, o_ref):
    pm = p_ref[...]
    for c4 in range(CB):
        for i in range(R):
            v = x_ref[0, c4, :, i]
            HH, WW, L = v.shape
            r = jnp.dot(v.reshape(HH * WW, L), pm,
                        preferred_element_type=jnp.float32,
                        precision=lax.Precision.HIGHEST)
            r = r.reshape(HH, WW, L)
            for q in range(4):
                rq = r[:, :, 32 * q:32 * (q + 1)]
                o_ref[0, c4, i, q] = rq.reshape(HH, WW * (Z_OUT))


def kernel(x):
    B, C, H, W, Z = x.shape
    L = R * Z
    G = (B * C) // CB
    xv = x.reshape(G, CB, H // R, R, W // R, L)
    P = jnp.asarray(_perm_matrix(L))
    out = pl.pallas_call(
        _body,
        grid=(G,),
        in_specs=[
            pl.BlockSpec((1, CB, H // R, R, W // R, L),
                         lambda g: (g, 0, 0, 0, 0, 0)),
            pl.BlockSpec((L, L), lambda g: (0, 0)),
        ],
        out_specs=pl.BlockSpec((1, CB, R, R * R, H // R, (W // R) * (Z // R)),
                               lambda g: (g, 0, 0, 0, 0, 0)),
        out_shape=jax.ShapeDtypeStruct(
            (G, CB, R, R * R, H // R, (W // R) * (Z // R)), x.dtype),
    )(xv, P)
    return out.reshape(B, C * R**3, H // R, W // R, Z // R)

# --- scband reference (transcript-rebuilt; emitter-appended) ---
"""Pipeline reference for scband-interleaver-40939628265708 (READ-ONLY COPY).

The authoritative reference and input builder live on the scoring server;
editing this copy changes nothing except your own understanding.
"""

import jax, jax.numpy as jnp
import numpy as np

R = 2

def setup_inputs(seed: int = 0) -> dict:
    key = jax.random.key(seed)
    x = jax.random.normal(key, (2, 32, 64, 64, 64), dtype=jnp.float32)
    return {"x": x}

def reference(x):
    r = R
    B, C, H, W, Z = x.shape
    assert H % r == 0 and W % r == 0 and Z % r == 0
    x = x.reshape(B, C, H // r, r, W // r, r, Z // r, r)
    x = jnp.transpose(x, (0, 1, 3, 5, 7, 2, 4, 6))
    x = x.reshape(B, C * r ** 3, H // r, W // r, Z // r)
    return x

if __name__ == "__main__":
    import jax
    _d = setup_inputs()
    print(jax.jit(kernel)(*tuple(_d.values())))

</pallas_src>

<mosaic_0001>
module attributes {stable_mosaic.version = 14 : i64} {
  func.func @_body(%arg0: i32, %arg1: memref<1x4x32x2x32x128xf32, #tpu.memory_space<vmem>>, %arg2: memref<128x128xf32, #tpu.memory_space<vmem>>, %arg3: memref<1x4x2x4x32x1024xf32, #tpu.memory_space<vmem>>) attributes {dimension_semantics = [#tpu.dimension_semantics<arbitrary>], iteration_bounds = array<i64: 16>, scalar_prefetch = 0 : i64, scratch_operands = 0 : i64, tpu.core_type = #tpu.core_type<tc>, window_params = [{transform_indices = @transform_0, window_bounds = array<i64: 1, 4, 32, 2, 32, 128>}, {pipeline_mode = #tpu.pipeline_mode<synchronous>, transform_indices = @transform_1, window_bounds = array<i64: 128, 128>}, {transform_indices = @transform_2, window_bounds = array<i64: 1, 4, 2, 4, 32, 1024>}]} {
    %get3A = arith.constant 0 : index
    %get3A_0 = arith.constant 0 : index
    %get3A_1 = vector.load %arg2[%get3A, %get3A_0] : memref<128x128xf32, #tpu.memory_space<vmem>>, vector<128x128xf32>
    %get3A_2 = arith.constant 0 : index
    %get3A_3 = arith.constant 0 : index
    %get3A_4 = arith.constant 0 : index
    %get3A_5 = arith.constant 0 : index
    %get3A_6 = arith.constant 0 : index
    %get3A_7 = arith.constant 0 : index
    %get3A_8 = vector.load %arg1[%get3A_2, %get3A_3, %get3A_4, %get3A_5, %get3A_6, %get3A_7] : memref<1x4x32x2x32x128xf32, #tpu.memory_space<vmem>>, vector<1x1x32x1x32x128xf32>
    %get3A_9 = vector.shape_cast %get3A_8 : vector<1x1x32x1x32x128xf32> to vector<32x32x128xf32>
    %reshape3A = vector.shape_cast %get3A_9 : vector<32x32x128xf32> to vector<1024x128xf32>
    %dot_general3A = arith.constant dense<0.000000e+00> : vector<1024x128xf32>
    %dot_general3A_10 = tpu.matmul %reshape3A, %get3A_1, %dot_general3A {dimension_numbers = #tpu.dot_dimension_numbers<[1], [0], [0], [1], [0, 0, 1, 1], [], []>, precision = #tpu.contract_precision<fp32>, transpose_lhs_hint = false} : vector<1024x128xf32>, vector<128x128xf32>, vector<1024x128xf32> -> vector<1024x128xf32>
    %reshape3A_11 = vector.shape_cast %dot_general3A_10 : vector<1024x128xf32> to vector<32x32x128xf32>
    %slice3A = vector.extract_strided_slice %reshape3A_11 {offsets = [0, 0, 0], sizes = [32, 32, 32], strides = [1, 1, 1]} : vector<32x32x128xf32> to vector<32x32x32xf32>
    %reshape3A_12 = vector.shape_cast %slice3A : vector<32x32x32xf32> to vector<32x1024xf32>
    %swap3A = arith.constant 0 : index
    %swap3A_13 = arith.constant 0 : index
    %swap3A_14 = arith.constant 0 : index
    %swap3A_15 = arith.constant 0 : index
    %swap3A_16 = arith.constant 0 : index
    %swap3A_17 = arith.constant 0 : index
    %swap3A_18 = vector.load %arg3[%swap3A, %swap3A_13, %swap3A_14, %swap3A_15, %swap3A_16, %swap3A_17] : memref<1x4x2x4x32x1024xf32, #tpu.memory_space<vmem>>, vector<1x1x1x1x32x1024xf32>
    %swap3A_19 = vector.shape_cast %swap3A_18 : vector<1x1x1x1x32x1024xf32> to vector<32x1024xf32>
    %swap3A_20 = vector.shape_cast %reshape3A_12 : vector<32x1024xf32> to vector<1x1x1x1x32x1024xf32>
    tpu.vector_store %arg3[%swap3A, %swap3A_13, %swap3A_14, %swap3A_15, %swap3A_16, %swap3A_17], %swap3A_20 {strides = array<i32>} : memref<1x4x2x4x32x1024xf32, #tpu.memory_space<vmem>>, vector<1x1x1x1x32x1024xf32>,
    %slice3A_21 = vector.extract_strided_slice %reshape3A_11 {offsets = [0, 0, 32], sizes = [32, 32, 32], strides = [1, 1, 1]} : vector<32x32x128xf32> to vector<32x32x32xf32>
    %reshape3A_22 = vector.shape_cast %slice3A_21 : vector<32x32x32xf32> to vector<32x1024xf32>
    %swap3A_23 = arith.constant 0 : index
    %swap3A_24 = arith.constant 0 : index
    %swap3A_25 = arith.constant 0 : index
    %swap3A_26 = arith.constant 1 : index
    %swap3A_27 = arith.constant 0 : index
    %swap3A_28 = arith.constant 0 : index
    %swap3A_29 = vector.load %arg3[%swap3A_23, %swap3A_24, %swap3A_25, %swap3A_26, %swap3A_27, %swap3A_28] : memref<1x4x2x4x32x1024xf32, #tpu.memory_space<vmem>>, vector<1x1x1x1x32x1024xf32>
    %swap3A_30 = vector.shape_cast %swap3A_29 : vector<1x1x1x1x32x1024xf32> to vector<32x1024xf32>
    %swap3A_31 = vector.shape_cast %reshape3A_22 : vector<32x1024xf32> to vector<1x1x1x1x32x1024xf32>
    tpu.vector_store %arg3[%swap3A_23, %swap3A_24, %swap3A_25, %swap3A_26, %swap3A_27, %swap3A_28], %swap3A_31 {strides = array<i32>} : memref<1x4x2x4x32x1024xf32, #tpu.memory_space<vmem>>, vector<1x1x1x1x32x1024xf32>,
    %slice3A_32 = vector.extract_strided_slice %reshape3A_11 {offsets = [0, 0, 64], sizes = [32, 32, 32], strides = [1, 1, 1]} : vector<32x32x128xf32> to vector<32x32x32xf32>
    %reshape3A_33 = vector.shape_cast %slice3A_32 : vector<32x32x32xf32> to vector<32x1024xf32>
    %swap3A_34 = arith.constant 0 : index
    %swap3A_35 = arith.constant 0 : index
    %swap3A_36 = arith.constant 0 : index
    %swap3A_37 = arith.constant 2 : index
    %swap3A_38 = arith.constant 0 : index
    %swap3A_39 = arith.constant 0 : index
    %swap3A_40 = vector.load %arg3[%swap3A_34, %swap3A_35, %swap3A_36, %swap3A_37, %swap3A_38, %swap3A_39] : memref<1x4x2x4x32x1024xf32, #tpu.memory_space<vmem>>, vector<1x1x1x1x32x1024xf32>
    %swap3A_41 = vector.shape_cast %swap3A_40 : vector<1x1x1x1x32x1024xf32> to vector<32x1024xf32>
    %swap3A_42 = vector.shape_cast %reshape3A_33 : vector<32x1024xf32> to vector<1x1x1x1x32x1024xf32>
    tpu.vector_store %arg3[%swap3A_34, %swap3A_35, %swap3A_36, %swap3A_37, %swap3A_38, %swap3A_39], %swap3A_42 {strides = array<i32>} : memref<1x4x2x4x32x1024xf32, #tpu.memory_space<vmem>>, vector<1x1x1x1x32x1024xf32>,
    %slice3A_43 = vector.extract_strided_slice %reshape3A_11 {offsets = [0, 0, 96], sizes = [32, 32, 32], strides = [1, 1, 1]} : vector<32x32x128xf32> to vector<32x32x32xf32>
    %reshape3A_44 = vector.shape_cast %slice3A_43 : vector<32x32x32xf32> to vector<32x1024xf32>
    %swap3A_45 = arith.constant 0 : index
    %swap3A_46 = arith.constant 0 : index
    %swap3A_47 = arith.constant 0 : index
    %swap3A_48 = arith.constant 3 : index
    %swap3A_49 = arith.constant 0 : index
    %swap3A_50 = arith.constant 0 : index
    %swap3A_51 = vector.load %arg3[%swap3A_45, %swap3A_46, %swap3A_47, %swap3A_48, %swap3A_49, %swap3A_50] : memref<1x4x2x4x32x1024xf32, #tpu.memory_space<vmem>>, vector<1x1x1x1x32x1024xf32>
    %swap3A_52 = vector.shape_cast %swap3A_51 : vector<1x1x1x1x32x1024xf32> to vector<32x1024xf32>
    %swap3A_53 = vector.shape_cast %reshape3A_44 : vector<32x1024xf32> to vector<1x1x1x1x32x1024xf32>
    tpu.vector_store %arg3[%swap3A_45, %swap3A_46, %swap3A_47, %swap3A_48, %swap3A_49, %swap3A_50], %swap3A_53 {strides = array<i32>} : memref<1x4x2x4x32x1024xf32, #tpu.memory_space<vmem>>, vector<1x1x1x1x32x1024xf32>,
    %get3A_54 = arith.constant 0 : index
    %get3A_55 = arith.constant 0 : index
    %get3A_56 = arith.constant 0 : index
    %get3A_57 = arith.constant 1 : index
    %get3A_58 = arith.constant 0 : index
    %get3A_59 = arith.constant 0 : index
    %get3A_60 = vector.load %arg1[%get3A_54, %get3A_55, %get3A_56, %get3A_57, %get3A_58, %get3A_59] : memref<1x4x32x2x32x128xf32, #tpu.memory_space<vmem>>, vector<1x1x32x1x32x128xf32>
    %get3A_61 = vector.shape_cast %get3A_60 : vector<1x1x32x1x32x128xf32> to vector<32x32x128xf32>
    %reshape3A_62 = vector.shape_cast %get3A_61 : vector<32x32x128xf32> to vector<1024x128xf32>
    %dot_general3A_63 = arith.constant dense<0.000000e+00> : vector<1024x128xf32>
    %dot_general3A_64 = tpu.matmul %reshape3A_62, %get3A_1, %dot_general3A_63 {dimension_numbers = #tpu.dot_dimension_numbers<[1], [0], [0], [1], [0, 0, 1, 1], [], []>, precision = #tpu.contract_precision<fp32>, transpose_lhs_hint = false} : vector<1024x128xf32>, vector<128x128xf32>, vector<1024x128xf32> -> vector<1024x128xf32>
    %reshape3A_65 = vector.shape_cast %dot_general3A_64 : vector<1024x128xf32> to vector<32x32x128xf32>
    %slice3A_66 = vector.extract_strided_slice %reshape3A_65 {offsets = [0, 0, 0], sizes = [32, 32, 32], strides = [1, 1, 1]} : vector<32x32x128xf32> to vector<32x32x32xf32>
    %reshape3A_67 = vector.shape_cast %slice3A_66 : vector<32x32x32xf32> to vector<32x1024xf32>
    %swap3A_68 = arith.constant 0 : index
    %swap3A_69 = arith.constant 0 : index
    %swap3A_70 = arith.constant 1 : index
    %swap3A_71 = arith.constant 0 : index
    %swap3A_72 = arith.constant 0 : index
    %swap3A_73 = arith.constant 0 : index
    %swap3A_74 = vector.load %arg3[%swap3A_68, %swap3A_69, %swap3A_70, %swap3A_71, %swap3A_72, %swap3A_73] : memref<1x4x2x4x32x1024xf32, #tpu.memory_space<vmem>>, vector<1x1x1x1x32x1024xf32>
    %swap3A_75 = vector.shape_cast %swap3A_74 : vector<1x1x1x1x32x1024xf32> to vector<32x1024xf32>
    %swap3A_76 = vector.shape_cast %reshape3A_67 : vector<32x1024xf32> to vector<1x1x1x1x32x1024xf32>
    tpu.vector_store %arg3[%swap3A_68, %swap3A_69, %swap3A_70, %swap3A_71, %swap3A_72, %swap3A_73], %swap3A_76 {strides = array<i32>} : memref<1x4x2x4x32x1024xf32, #tpu.memory_space<vmem>>, vector<1x1x1x1x32x1024xf32>,
    %slice3A_77 = vector.extract_strided_slice %reshape3A_65 {offsets = [0, 0, 32], sizes = [32, 32, 32], strides = [1, 1, 1]} : vector<32x32x128xf32> to vector<32x32x32xf32>
    %reshape3A_78 = vector.shape_cast %slice3A_77 : vector<32x32x32xf32> to vector<32x1024xf32>
    %swap3A_79 = arith.constant 0 : index
    %swap3A_80 = arith.constant 0 : index
    %swap3A_81 = arith.constant 1 : index
    %swap3A_82 = arith.constant 1 : index
    %swap3A_83 = arith.constant 0 : index
    %swap3A_84 = arith.constant 0 : index
    %swap3A_85 = vector.load %arg3[%swap3A_79, %swap3A_80, %swap3A_81, %swap3A_82, %swap3A_83, %swap3A_84] : memref<1x4x2x4x32x1024xf32, #tpu.memory_space<vmem>>, vector<1x1x1x1x32x1024xf32>
    %swap3A_86 = vector.shape_cast %swap3A_85 : vector<1x1x1x1x32x1024xf32> to vector<32x1024xf32>
    %swap3A_87 = vector.shape_cast %reshape3A_78 : vector<32x1024xf32> to vector<1x1x1x1x32x1024xf32>
    tpu.vector_store %arg3[%swap3A_79, %swap3A_80, %swap3A_81, %swap3A_82, %swap3A_83, %swap3A_84], %swap3A_87 {strides = array<i32>} : memref<1x4x2x4x32x1024xf32, #tpu.memory_space<vmem>>, vector<1x1x1x1x32x1024xf32>,
    %slice3A_88 = vector.extract_strided_slice %reshape3A_65 {offsets = [0, 0, 64], sizes = [32, 32, 32], strides = [1, 1, 1]} : vector<32x32x128xf32> to vector<32x32x32xf32>
    %reshape3A_89 = vector.shape_cast %slice3A_88 : vector<32x32x32xf32> to vector<32x1024xf32>
    %swap3A_90 = arith.constant 0 : index
    %swap3A_91 = arith.constant 0 : index
    %swap3A_92 = arith.constant 1 : index
    %swap3A_93 = arith.constant 2 : index
    %swap3A_94 = arith.constant 0 : index
    %swap3A_95 = arith.constant 0 : index
    %swap3A_96 = vector.load %arg3[%swap3A_90, %swap3A_91, %swap3A_92, %swap3A_93, %swap3A_94, %swap3A_95] : memref<1x4x2x4x32x1024xf32, #tpu.memory_space<vmem>>, vector<1x1x1x1x32x1024xf32>
    %swap3A_97 = vector.shape_cast %swap3A_96 : vector<1x1x1x1x32x1024xf32> to vector<32x1024xf32>
    %swap3A_98 = vector.shape_cast %reshape3A_89 : vector<32x1024xf32> to vector<1x1x1x1x32x1024xf32>
    tpu.vector_store %arg3[%swap3A_90, %swap3A_91, %swap3A_92, %swap3A_93, %swap3A_94, %swap3A_95], %swap3A_98 {strides = array<i32>} : memref<1x4x2x4x32x1024xf32, #tpu.memory_space<vmem>>, vector<1x1x1x1x32x1024xf32>,
    %slice3A_99 = vector.extract_strided_slice %reshape3A_65 {offsets = [0, 0, 96], sizes = [32, 32, 32], strides = [1, 1, 1]} : vector<32x32x128xf32> to vector<32x32x32xf32>
    %reshape3A_100 = vector.shape_cast %slice3A_99 : vector<32x32x32xf32> to vector<32x1024xf32>
    %swap3A_101 = arith.constant 0 : index
    %swap3A_102 = arith.constant 0 : index
    %swap3A_103 = arith.constant 1 : index
    %swap3A_104 = arith.constant 3 : index
    %swap3A_105 = arith.constant 0 : index
    %swap3A_106 = arith.constant 0 : index
    %swap3A_107 = vector.load %arg3[%swap3A_101, %swap3A_102, %swap3A_103, %swap3A_104, %swap3A_105, %swap3A_106] : memref<1x4x2x4x32x1024xf32, #tpu.memory_space<vmem>>, vector<1x1x1x1x32x1024xf32>
    %swap3A_108 = vector.shape_cast %swap3A_107 : vector<1x1x1x1x32x1024xf32> to vector<32x1024xf32>
    %swap3A_109 = vector.shape_cast %reshape3A_100 : vector<32x1024xf32> to vector<1x1x1x1x32x1024xf32>
    tpu.vector_store %arg3[%swap3A_101, %swap3A_102, %swap3A_103, %swap3A_104, %swap3A_105, %swap3A_106], %swap3A_109 {strides = array<i32>} : memref<1x4x2x4x32x1024xf32, #tpu.memory_space<vmem>>, vector<1x1x1x1x32x1024xf32>,
    %get3A_110 = arith.constant 0 : index
    %get3A_111 = arith.constant 1 : index
    %get3A_112 = arith.constant 0 : index
    %get3A_113 = arith.constant 0 : index
    %get3A_114 = arith.constant 0 : index
    %get3A_115 = arith.constant 0 : index
    %get3A_116 = vector.load %arg1[%get3A_110, %get3A_111, %get3A_112, %get3A_113, %get3A_114, %get3A_115] : memref<1x4x32x2x32x128xf32, #tpu.memory_space<vmem>>, vector<1x1x32x1x32x128xf32>
    %get3A_117 = vector.shape_cast %get3A_116 : vector<1x1x32x1x32x128xf32> to vector<32x32x128xf32>
    %reshape3A_118 = vector.shape_cast %get3A_117 : vector<32x32x128xf32> to vector<1024x128xf32>
    %dot_general3A_119 = arith.constant dense<0.000000e+00> : vector<1024x128xf32>
    %dot_general3A_120 = tpu.matmul %reshape3A_118, %get3A_1, %dot_general3A_119 {dimension_numbers = #tpu.dot_dimension_numbers<[1], [0], [0], [1], [0, 0, 1, 1], [], []>, precision = #tpu.contract_precision<fp32>, transpose_lhs_hint = false} : vector<1024x128xf32>, vector<128x128xf32>, vector<1024x128xf32> -> vector<1024x128xf32>
    %reshape3A_121 = vector.shape_cast %dot_general3A_120 : vector<1024x128xf32> to vector<32x32x128xf32>
    %slice3A_122 = vector.extract_strided_slice %reshape3A_121 {offsets = [0, 0, 0], sizes = [32, 32, 32], strides = [1, 1, 1]} : vector<32x32x128xf32> to vector<32x32x32xf32>
    %reshape3A_123 = vector.shape_cast %slice3A_122 : vector<32x32x32xf32> to vector<32x1024xf32>
    %swap3A_124 = arith.constant 0 : index
    %swap3A_125 = arith.constant 1 : index
    %swap3A_126 = arith.constant 0 : index
    %swap3A_127 = arith.constant 0 : index
    %swap3A_128 = arith.constant 0 : index
    %swap3A_129 = arith.constant 0 : index
    %swap3A_130 = vector.load %arg3[%swap3A_124, %swap3A_125, %swap3A_126, %swap3A_127, %swap3A_128, %swap3A_129] : memref<1x4x2x4x32x1024xf32, #tpu.memory_space<vmem>>, vector<1x1x1x1x32x1024xf32>
    %swap3A_131 = vector.shape_cast %swap3A_130 : vector<1x1x1x1x32x1024xf32> to vector<32x1024xf32>
    %swap3A_132 = vector.shape_cast %reshape3A_123 : vector<32x1024xf32> to vector<1x1x1x1x32x1024xf32>
    tpu.vector_store %arg3[%swap3A_124, %swap3A_125, %swap3A_126, %swap3A_127, %swap3A_128, %swap3A_129], %swap3A_132 {strides = array<i32>} : memref<1x4x2x4x32x1024xf32, #tpu.memory_space<vmem>>, vector<1x1x1x1x32x1024xf32>,
    %slice3A_133 = vector.extract_strided_slice %reshape3A_121 {offsets = [0, 0, 32], sizes = [32, 32, 32], strides = [1, 1, 1]} : vector<32x32x128xf32> to vector<32x32x32xf32>
    %reshape3A_134 = vector.shape_cast %slice3A_133 : vector<32x32x32xf32> to vector<32x1024xf32>
    %swap3A_135 = arith.constant 0 : index
    %swap3A_136 = arith.constant 1 : index
    %swap3A_137 = arith.constant 0 : index
    %swap3A_138 = arith.constant 1 : index
    %swap3A_139 = arith.constant 0 : index
    %swap3A_140 = arith.constant 0 : index
    %swap3A_141 = vector.load %arg3[%swap3A_135, %swap3A_136, %swap3A_137, %swap3A_138, %swap3A_139, %swap3A_140] : memref<1x4x2x4x32x1024xf32, #tpu.memory_space<vmem>>, vector<1x1x1x1x32x1024xf32>
    %swap3A_142 = vector.shape_cast %swap3A_141 : vector<1x1x1x1x32x1024xf32> to vector<32x1024xf32>
    %swap3A_143 = vector.shape_cast %reshape3A_134 : vector<32x1024xf32> to vector<1x1x1x1x32x1024xf32>
    tpu.vector_store %arg3[%swap3A_135, %swap3A_136, %swap3A_137, %swap3A_138, %swap3A_139, %swap3A_140], %swap3A_143 {strides = array<i32>} : memref<1x4x2x4x32x1024xf32, #tpu.memory_space<vmem>>, vector<1x1x1x1x32x1024xf32>,
    %slice3A_144 = vector.extract_strided_slice %reshape3A_121 {offsets = [0, 0, 64], sizes = [32, 32, 32], strides = [1, 1, 1]} : vector<32x32x128xf32> to vector<32x32x32xf32>
    %reshape3A_145 = vector.shape_cast %slice3A_144 : vector<32x32x32xf32> to vector<32x1024xf32>
    %swap3A_146 = arith.constant 0 : index
    %swap3A_147 = arith.constant 1 : index
    %swap3A_148 = arith.constant 0 : index
    %swap3A_149 = arith.constant 2 : index
    %swap3A_150 = arith.constant 0 : index
    %swap3A_151 = arith.constant 0 : index
    %swap3A_152 = vector.load %arg3[%swap3A_146, %swap3A_147, %swap3A_148, %swap3A_149, %swap3A_150, %swap3A_151] : memref<1x4x2x4x32x1024xf32, #tpu.memory_space<vmem>>, vector<1x1x1x1x32x1024xf32>
    %swap3A_153 = vector.shape_cast %swap3A_152 : vector<1x1x1x1x32x1024xf32> to vector<32x1024xf32>
    %swap3A_154 = vector.shape_cast %reshape3A_145 : vector<32x1024xf32> to vector<1x1x1x1x32x1024xf32>
    tpu.vector_store %arg3[%swap3A_146, %swap3A_147, %swap3A_148, %swap3A_149, %swap3A_150, %swap3A_151], %swap3A_154 {strides = array<i32>} : memref<1x4x2x4x32x1024xf32, #tpu.memory_space<vmem>>, vector<1x1x1x1x32x1024xf32>,
    %slice3A_155 = vector.extract_strided_slice %reshape3A_121 {offsets = [0, 0, 96], sizes = [32, 32, 32], strides = [1, 1, 1]} : vector<32x32x128xf32> to vector<32x32x32xf32>
    %reshape3A_156 = vector.shape_cast %slice3A_155 : vector<32x32x32xf32> to vector<32x1024xf32>
    %swap3A_157 = arith.constant 0 : index
    %swap3A_158 = arith.constant 1 : index
    %swap3A_159 = arith.constant 0 : index
    %swap3A_160 = arith.constant 3 : index
    %swap3A_161 = arith.constant 0 : index
    %swap3A_162 = arith.constant 0 : index
    %swap3A_163 = vector.load %arg3[%swap3A_157, %swap3A_158, %swap3A_159, %swap3A_160, %swap3A_161, %swap3A_162] : memref<1x4x2x4x32x1024xf32, #tpu.memory_space<vmem>>, vector<1x1x1x1x32x1024xf32>
    %swap3A_164 = vector.shape_cast %swap3A_163 : vector<1x1x1x1x32x1024xf32> to vector<32x1024xf32>
    %swap3A_165 = vector.shape_cast %reshape3A_156 : vector<32x1024xf32> to vector<1x1x1x1x32x1024xf32>
    tpu.vector_store %arg3[%swap3A_157, %swap3A_158, %swap3A_159, %swap3A_160, %swap3A_161, %swap3A_162], %swap3A_165 {strides = array<i32>} : memref<1x4x2x4x32x1024xf32, #tpu.memory_space<vmem>>, vector<1x1x1x1x32x1024xf32>,
    %get3A_166 = arith.constant 0 : index
    %get3A_167 = arith.constant 1 : index
    %get3A_168 = arith.constant 0 : index
    %get3A_169 = arith.constant 1 : index
    %get3A_170 = arith.constant 0 : index
    %get3A_171 = arith.constant 0 : index
    %get3A_172 = vector.load %arg1[%get3A_166, %get3A_167, %get3A_168, %get3A_169, %get3A_170, %get3A_171] : memref<1x4x32x2x32x128xf32, #tpu.memory_space<vmem>>, vector<1x1x32x1x32x128xf32>
    %get3A_173 = vector.shape_cast %get3A_172 : vector<1x1x32x1x32x128xf32> to vector<32x32x128xf32>
    %reshape3A_174 = vector.shape_cast %get3A_173 : vector<32x32x128xf32> to vector<1024x128xf32>
    %dot_general3A_175 = arith.constant dense<0.000000e+00> : vector<1024x128xf32>
    %dot_general3A_176 = tpu.matmul %reshape3A_174, %get3A_1, %dot_general3A_175 {dimension_numbers = #tpu.dot_dimension_numbers<[1], [0], [0], [1], [0, 0, 1, 1], [], []>, precision = #tpu.contract_precision<fp32>, transpose_lhs_hint = false} : vector<1024x128xf32>, vector<128x128xf32>, vector<1024x128xf32> -> vector<1024x128xf32>
    %reshape3A_177 = vector.shape_cast %dot_general3A_176 : vector<1024x128xf32> to vector<32x32x128xf32>
    %slice3A_178 = vector.extract_strided_slice %reshape3A_177 {offsets = [0, 0, 0], sizes = [32, 32, 32], strides = [1, 1, 1]} : vector<32x32x128xf32> to vector<32x32x32xf32>
    %reshape3A_179 = vector.shape_cast %slice3A_178 : vector<32x32x32xf32> to vector<32x1024xf32>
    %swap3A_180 = arith.constant 0 : index
    %swap3A_181 = arith.constant 1 : index
    %swap3A_182 = arith.constant 1 : index
    %swap3A_183 = arith.constant 0 : index
    %swap3A_184 = arith.constant 0 : index
    %swap3A_185 = arith.constant 0 : index
    %swap3A_186 = vector.load %arg3[%swap3A_180, %swap3A_181, %swap3A_182, %swap3A_183, %swap3A_184, %swap3A_185] : memref<1x4x2x4x32x1024xf32, #tpu.memory_space<vmem>>, vector<1x1x1x1x32x1024xf32>
    %swap3A_187 = vector.shape_cast %swap3A_186 : vector<1x1x1x1x32x1024xf32> to vector<32x1024xf32>
    %swap3A_188 = vector.shape_cast %reshape3A_179 : vector<32x1024xf32> to vector<1x1x1x1x32x1024xf32>
    tpu.vector_store %arg3[%swap3A_180, %swap3A_181, %swap3A_182, %swap3A_183, %swap3A_184, %swap3A_185], %swap3A_188 {strides = array<i32>} : memref<1x4x2x4x32x1024xf32, #tpu.memory_space<vmem>>, vector<1x1x1x1x32x1024xf32>,
    %slice3A_189 = vector.extract_strided_slice %reshape3A_177 {offsets = [0, 0, 32], sizes = [32, 32, 32], strides = [1, 1, 1]} : vector<32x32x128xf32> to vector<32x32x32xf32>
    %reshape3A_190 = vector.shape_cast %slice3A_189 : vector<32x32x32xf32> to vector<32x1024xf32>
    %swap3A_191 = arith.constant 0 : index
    %swap3A_192 = arith.constant 1 : index
    %swap3A_193 = arith.constant 1 : index
    %swap3A_194 = arith.constant 1 : index
    %swap3A_195 = arith.constant 0 : index
    %swap3A_196 = arith.constant 0 : index
    %swap3A_197 = vector.load %arg3[%swap3A_191, %swap3A_192, %swap3A_193, %swap3A_194, %swap3A_195, %swap3A_196] : memref<1x4x2x4x32x1024xf32, #tpu.memory_space<vmem>>, vector<1x1x1x1x32x1024xf32>
    %swap3A_198 = vector.shape_cast %swap3A_197 : vector<1x1x1x1x32x1024xf32> to vector<32x1024xf32>
    %swap3A_199 = vector.shape_cast %reshape3A_190 : vector<32x1024xf32> to vector<1x1x1x1x32x1024xf32>
    tpu.vector_store %arg3[%swap3A_191, %swap3A_192, %swap3A_193, %swap3A_194, %swap3A_195, %swap3A_196], %swap3A_199 {strides = array<i32>} : memref<1x4x2x4x32x1024xf32, #tpu.memory_space<vmem>>, vector<1x1x1x1x32x1024xf32>,
    %slice3A_200 = vector.extract_strided_slice %reshape3A_177 {offsets = [0, 0, 64], sizes = [32, 32, 32], strides = [1, 1, 1]} : vector<32x32x128xf32> to vector<32x32x32xf32>
    %reshape3A_201 = vector.shape_cast %slice3A_200 : vector<32x32x32xf32> to vector<32x1024xf32>
    %swap3A_202 = arith.constant 0 : index
    %swap3A_203 = arith.constant 1 : index
    %swap3A_204 = arith.constant 1 : index
    %swap3A_205 = arith.constant 2 : index
    %swap3A_206 = arith.constant 0 : index
    %swap3A_207 = arith.constant 0 : index
    %swap3A_208 = vector.load %arg3[%swap3A_202, %swap3A_203, %swap3A_204, %swap3A_205, %swap3A_206, %swap3A_207] : memref<1x4x2x4x32x1024xf32, #tpu.memory_space<vmem>>, vector<1x1x1x1x32x1024xf32>
    %swap3A_209 = vector.shape_cast %swap3A_208 : vector<1x1x1x1x32x1024xf32> to vector<32x1024xf32>
    %swap3A_210 = vector.shape_cast %reshape3A_201 : vector<32x1024xf32> to vector<1x1x1x1x32x1024xf32>
    tpu.vector_store %arg3[%swap3A_202, %swap3A_203, %swap3A_204, %swap3A_205, %swap3A_206, %swap3A_207], %swap3A_210 {strides = array<i32>} : memref<1x4x2x4x32x1024xf32, #tpu.memory_space<vmem>>, vector<1x1x1x1x32x1024xf32>,
    %slice3A_211 = vector.extract_strided_slice %reshape3A_177 {offsets = [0, 0, 96], sizes = [32, 32, 32], strides = [1, 1, 1]} : vector<32x32x128xf32> to vector<32x32x32xf32>
    %reshape3A_212 = vector.shape_cast %slice3A_211 : vector<32x32x32xf32> to vector<32x1024xf32>
    %swap3A_213 = arith.constant 0 : index
    %swap3A_214 = arith.constant 1 : index
    %swap3A_215 = arith.constant 1 : index
    %swap3A_216 = arith.constant 3 : index
    %swap3A_217 = arith.constant 0 : index
    %swap3A_218 = arith.constant 0 : index
    %swap3A_219 = vector.load %arg3[%swap3A_213, %swap3A_214, %swap3A_215, %swap3A_216, %swap3A_217, %swap3A_218] : memref<1x4x2x4x32x1024xf32, #tpu.memory_space<vmem>>, vector<1x1x1x1x32x1024xf32>
    %swap3A_220 = vector.shape_cast %swap3A_219 : vector<1x1x1x1x32x1024xf32> to vector<32x1024xf32>
    %swap3A_221 = vector.shape_cast %reshape3A_212 : vector<32x1024xf32> to vector<1x1x1x1x32x1024xf32>
    tpu.vector_store %arg3[%swap3A_213, %swap3A_214, %swap3A_215, %swap3A_216, %swap3A_217, %swap3A_218], %swap3A_221 {strides = array<i32>} : memref<1x4x2x4x32x1024xf32, #tpu.memory_space<vmem>>, vector<1x1x1x1x32x1024xf32>,
    %get3A_222 = arith.constant 0 : index
    %get3A_223 = arith.constant 2 : index
    %get3A_224 = arith.constant 0 : index
    %get3A_225 = arith.constant 0 : index
    %get3A_226 = arith.constant 0 : index
    %get3A_227 = arith.constant 0 : index
    %get3A_228 = vector.load %arg1[%get3A_222, %get3A_223, %get3A_224, %get3A_225, %get3A_226, %get3A_227] : memref<1x4x32x2x32x128xf32, #tpu.memory_space<vmem>>, vector<1x1x32x1x32x128xf32>
    %get3A_229 = vector.shape_cast %get3A_228 : vector<1x1x32x1x32x128xf32> to vector<32x32x128xf32>
    %reshape3A_230 = vector.shape_cast %get3A_229 : vector<32x32x128xf32> to vector<1024x128xf32>
    %dot_general3A_231 = arith.constant dense<0.000000e+00> : vector<1024x128xf32>
    %dot_general3A_232 = tpu.matmul %reshape3A_230, %get3A_1, %dot_general3A_231 {dimension_numbers = #tpu.dot_dimension_numbers<[1], [0], [0], [1], [0, 0, 1, 1], [], []>, precision = #tpu.contract_precision<fp32>, transpose_lhs_hint = false} : vector<1024x128xf32>, vector<128x128xf32>, vector<1024x128xf32> -> vector<1024x128xf32>
    %reshape3A_233 = vector.shape_cast %dot_general3A_232 : vector<1024x128xf32> to vector<32x32x128xf32>
    %slice3A_234 = vector.extract_strided_slice %reshape3A_233 {offsets = [0, 0, 0], sizes = [32, 32, 32], strides = [1, 1, 1]} : vector<32x32x128xf32> to vector<32x32x32xf32>
    %reshape3A_235 = vector.shape_cast %slice3A_234 : vector<32x32x32xf32> to vector<32x1024xf32>
    %swap3A_236 = arith.constant 0 : index
    %swap3A_237 = arith.constant 2 : index
    %swap3A_238 = arith.constant 0 : index
    %swap3A_239 = arith.constant 0 : index
    %swap3A_240 = arith.constant 0 : index
    %swap3A_241 = arith.constant 0 : index
    %swap3A_242 = vector.load %arg3[%swap3A_236, %swap3A_237, %swap3A_238, %swap3A_239, %swap3A_240, %swap3A_241] : memref<1x4x2x4x32x1024xf32, #tpu.memory_space<vmem>>, vector<1x1x1x1x32x1024xf32>
    %swap3A_243 = vector.shape_cast %swap3A_242 : vector<1x1x1x1x32x1024xf32> to vector<32x1024xf32>
    %swap3A_244 = vector.shape_cast %reshape3A_235 : vector<32x1024xf32> to vector<1x1x1x1x32x1024xf32>
    tpu.vector_store %arg3[%swap3A_236, %swap3A_237, %swap3A_238, %swap3A_239, %swap3A_240, %swap3A_241], %swap3A_244 {strides = array<i32>} : memref<1x4x2x4x32x1024xf32, #tpu.memory_space<vmem>>, vector<1x1x1x1x32x1024xf32>,
    %slice3A_245 = vector.extract_strided_slice %reshape3A_233 {offsets = [0, 0, 32], sizes = [32, 32, 32], strides = [1, 1, 1]} : vector<32x32x128xf32> to vector<32x32x32xf32>
    %reshape3A_246 = vector.shape_cast %slice3A_245 : vector<32x32x32xf32> to vector<32x1024xf32>
    %swap3A_247 = arith.constant 0 : index
    %swap3A_248 = arith.constant 2 : index
    %swap3A_249 = arith.constant 0 : index
    %swap3A_250 = arith.constant 1 : index
    %swap3A_251 = arith.constant 0 : index
    %swap3A_252 = arith.constant 0 : index
    %swap3A_253 = vector.load %arg3[%swap3A_247, %swap3A_248, %swap3A_249, %swap3A_250, %swap3A_251, %swap3A_252] : memref<1x4x2x4x32x1024xf32, #tpu.memory_space<vmem>>, vector<1x1x1x1x32x1024xf32>
    %swap3A_254 = vector.shape_cast %swap3A_253 : vector<1x1x1x1x32x1024xf32> to vector<32x1024xf32>
    %swap3A_255 = vector.shape_cast %reshape3A_246 : vector<32x1024xf32> to vector<1x1x1x1x32x1024xf32>
    tpu.vector_store %arg3[%swap3A_247, %swap3A_248, %swap3A_249, %swap3A_250, %swap3A_251, %swap3A_252], %swap3A_255 {strides = array<i32>} : memref<1x4x2x4x32x1024xf32, #tpu.memory_space<vmem>>, vector<1x1x1x1x32x1024xf32>,
    %slice3A_256 = vector.extract_strided_slice %reshape3A_233 {offsets = [0, 0, 64], sizes = [32, 32, 32], strides = [1, 1, 1]} : vector<32x32x128xf32> to vector<32x32x32xf32>
    %reshape3A_257 = vector.shape_cast %slice3A_256 : vector<32x32x32xf32> to vector<32x1024xf32>
    %swap3A_258 = arith.constant 0 : index
    %swap3A_259 = arith.constant 2 : index
    %swap3A_260 = arith.constant 0 : index
    %swap3A_261 = arith.constant 2 : index
    %swap3A_262 = arith.constant 0 : index
    %swap3A_263 = arith.constant 0 : index
    %swap3A_264 = vector.load %arg3[%swap3A_258, %swap3A_259, %swap3A_260, %swap3A_261, %swap3A_262, %swap3A_263] : memref<1x4x2x4x32x1024xf32, #tpu.memory_space<vmem>>, vector<1x1x1x1x32x1024xf32>
    %swap3A_265 = vector.shape_cast %swap3A_264 : vector<1x1x1x1x32x1024xf32> to vector<32x1024xf32>
    %swap3A_266 = vector.shape_cast %reshape3A_257 : vector<32x1024xf32> to vector<1x1x1x1x32x1024xf32>
    tpu.vector_store %arg3[%swap3A_258, %swap3A_259, %swap3A_260, %swap3A_261, %swap3A_262, %swap3A_263], %swap3A_266 {strides = array<i32>} : memref<1x4x2x4x32x1024xf32, #tpu.memory_space<vmem>>, vector<1x1x1x1x32x1024xf32>,
    %slice3A_267 = vector.extract_strided_slice %reshape3A_233 {offsets = [0, 0, 96], sizes = [32, 32, 32], strides = [1, 1, 1]} : vector<32x32x128xf32> to vector<32x32x32xf32>
    %reshape3A_268 = vector.shape_cast %slice3A_267 : vector<32x32x32xf32> to vector<32x1024xf32>
    %swap3A_269 = arith.constant 0 : index
    %swap3A_270 = arith.constant 2 : index
    %swap3A_271 = arith.constant 0 : index
    %swap3A_272 = arith.constant 3 : index
    %swap3A_273 = arith.constant 0 : index
    %swap3A_274 = arith.constant 0 : index
    %swap3A_275 = vector.load %arg3[%swap3A_269, %swap3A_270, %swap3A_271, %swap3A_272, %swap3A_273, %swap3A_274] : memref<1x4x2x4x32x1024xf32, #tpu.memory_space<vmem>>, vector<1x1x1x1x32x1024xf32>
    %swap3A_276 = vector.shape_cast %swap3A_275 : vector<1x1x1x1x32x1024xf32> to vector<32x1024xf32>
    %swap3A_277 = vector.shape_cast %reshape3A_268 : vector<32x1024xf32> to vector<1x1x1x1x32x1024xf32>
    tpu.vector_store %arg3[%swap3A_269, %swap3A_270, %swap3A_271, %swap3A_272, %swap3A_273, %swap3A_274], %swap3A_277 {strides = array<i32>} : memref<1x4x2x4x32x1024xf32, #tpu.memory_space<vmem>>, vector<1x1x1x1x32x1024xf32>,
    %get3A_278 = arith.constant 0 : index
    %get3A_279 = arith.constant 2 : index
    %get3A_280 = arith.constant 0 : index
    %get3A_281 = arith.constant 1 : index
    %get3A_282 = arith.constant 0 : index
    %get3A_283 = arith.constant 0 : index
    %get3A_284 = vector.load %arg1[%get3A_278, %get3A_279, %get3A_280, %get3A_281, %get3A_282, %get3A_283] : memref<1x4x32x2x32x128xf32, #tpu.memory_space<vmem>>, vector<1x1x32x1x32x128xf32>
    %get3A_285 = vector.shape_cast %get3A_284 : vector<1x1x32x1x32x128xf32> to vector<32x32x128xf32>
    %reshape3A_286 = vector.shape_cast %get3A_285 : vector<32x32x128xf32> to vector<1024x128xf32>
    %dot_general3A_287 = arith.constant dense<0.000000e+00> : vector<1024x128xf32>
    %dot_general3A_288 = tpu.matmul %reshape3A_286, %get3A_1, %dot_general3A_287 {dimension_numbers = #tpu.dot_dimension_numbers<[1], [0], [0], [1], [0, 0, 1, 1], [], []>, precision = #tpu.contract_precision<fp32>, transpose_lhs_hint = false} : vector<1024x128xf32>, vector<128x128xf32>, vector<1024x128xf32> -> vector<1024x128xf32>
    %reshape3A_289 = vector.shape_cast %dot_general3A_288 : vector<1024x128xf32> to vector<32x32x128xf32>
    %slice3A_290 = vector.extract_strided_slice %reshape3A_289 {offsets = [0, 0, 0], sizes = [32, 32, 32], strides = [1, 1, 1]} : vector<32x32x128xf32> to vector<32x32x32xf32>
    %reshape3A_291 = vector.shape_cast %slice3A_290 : vector<32x32x32xf32> to vector<32x1024xf32>
    %swap3A_292 = arith.constant 0 : index
    %swap3A_293 = arith.constant 2 : index
    %swap3A_294 = arith.constant 1 : index
    %swap3A_295 = arith.constant 0 : index
    %swap3A_296 = arith.constant 0 : index
    %swap3A_297 = arith.constant 0 : index
    %swap3A_298 = vector.load %arg3[%swap3A_292, %swap3A_293, %swap3A_294, %swap3A_295, %swap3A_296, %swap3A_297] : memref<1x4x2x4x32x1024xf32, #tpu.memory_space<vmem>>, vector<1x1x1x1x32x1024xf32>
    %swap3A_299 = vector.shape_cast %swap3A_298 : vector<1x1x1x1x32x1024xf32> to vector<32x1024xf32>
    %swap3A_300 = vector.shape_cast %reshape3A_291 : vector<32x1024xf32> to vector<1x1x1x1x32x1024xf32>
    tpu.vector_store %arg3[%swap3A_292, %swap3A_293, %swap3A_294, %swap3A_295, %swap3A_296, %swap3A_297], %swap3A_300 {strides = array<i32>} : memref<1x4x2x4x32x1024xf32, #tpu.memory_space<vmem>>, vector<1x1x1x1x32x1024xf32>,
    %slice3A_301 = vector.extract_strided_slice %reshape3A_289 {offsets = [0, 0, 32], sizes = [32, 32, 32], strides = [1, 1, 1]} : vector<32x32x128xf32> to vector<32x32x32xf32>
    %reshape3A_302 = vector.shape_cast %slice3A_301 : vector<32x32x32xf32> to vector<32x1024xf32>
    %swap3A_303 = arith.constant 0 : index
    %swap3A_304 = arith.constant 2 : index
    %swap3A_305 = arith.constant 1 : index
    %swap3A_306 = arith.constant 1 : index
    %swap3A_307 = arith.constant 0 : index
    %swap3A_308 = arith.constant 0 : index
    %swap3A_309 = vector.load %arg3[%swap3A_303, %swap3A_304, %swap3A_305, %swap3A_306, %swap3A_307, %swap3A_308] : memref<1x4x2x4x32x1024xf32, #tpu.memory_space<vmem>>, vector<1x1x1x1x32x1024xf32>
    %swap3A_310 = vector.shape_cast %swap3A_309 : vector<1x1x1x1x32x1024xf32> to vector<32x1024xf32>
    %swap3A_311 = vector.shape_cast %reshape3A_302 : vector<32x1024xf32> to vector<1x1x1x1x32x1024xf32>
    tpu.vector_store %arg3[%swap3A_303, %swap3A_304, %swap3A_305, %swap3A_306, %swap3A_307, %swap3A_308], %swap3A_311 {strides = array<i32>} : memref<1x4x2x4x32x1024xf32, #tpu.memory_space<vmem>>, vector<1x1x1x1x32x1024xf32>,
    %slice3A_312 = vector.extract_strided_slice %reshape3A_289 {offsets = [0, 0, 64], sizes = [32, 32, 32], strides = [1, 1, 1]} : vector<32x32x128xf32> to vector<32x32x32xf32>
    %reshape3A_313 = vector.shape_cast %slice3A_312 : vector<32x32x32xf32> to vector<32x1024xf32>
    %swap3A_314 = arith.constant 0 : index
    %swap3A_315 = arith.constant 2 : index
    %swap3A_316 = arith.constant 1 : index
    %swap3A_317 = arith.constant 2 : index
    %swap3A_318 = arith.constant 0 : index
    %swap3A_319 = arith.constant 0 : index
    %swap3A_320 = vector.load %arg3[%swap3A_314, %swap3A_315, %swap3A_316, %swap3A_317, %swap3A_318, %swap3A_319] : memref<1x4x2x4x32x1024xf32, #tpu.memory_space<vmem>>, vector<1x1x1x1x32x1024xf32>
    %swap3A_321 = vector.shape_cast %swap3A_320 : vector<1x1x1x1x32x1024xf32> to vector<32x1024xf32>
    %swap3A_322 = vector.shape_cast %reshape3A_313 : vector<32x1024xf32> to vector<1x1x1x1x32x1024xf32>
    tpu.vector_store %arg3[%swap3A_314, %swap3A_315, %swap3A_316, %swap3A_317, %swap3A_318, %swap3A_319], %swap3A_322 {strides = array<i32>} : memref<1x4x2x4x32x1024xf32, #tpu.memory_space<vmem>>, vector<1x1x1x1x32x1024xf32>,
    %slice3A_323 = vector.extract_strided_slice %reshape3A_289 {offsets = [0, 0, 96], sizes = [32, 32, 32], strides = [1, 1, 1]} : vector<32x32x128xf32> to vector<32x32x32xf32>
    %reshape3A_324 = vector.shape_cast %slice3A_323 : vector<32x32x32xf32> to vector<32x1024xf32>
    %swap3A_325 = arith.constant 0 : index
    %swap3A_326 = arith.constant 2 : index
    %swap3A_327 = arith.constant 1 : index
    %swap3A_328 = arith.constant 3 : index
    %swap3A_329 = arith.constant 0 : index
    %swap3A_330 = arith.constant 0 : index
    %swap3A_331 = vector.load %arg3[%swap3A_325, %swap3A_326, %swap3A_327, %swap3A_328, %swap3A_329, %swap3A_330] : memref<1x4x2x4x32x1024xf32, #tpu.memory_space<vmem>>, vector<1x1x1x1x32x1024xf32>
    %swap3A_332 = vector.shape_cast %swap3A_331 : vector<1x1x1x1x32x1024xf32> to vector<32x1024xf32>
    %swap3A_333 = vector.shape_cast %reshape3A_324 : vector<32x1024xf32> to vector<1x1x1x1x32x1024xf32>
    tpu.vector_store %arg3[%swap3A_325, %swap3A_326, %swap3A_327, %swap3A_328, %swap3A_329, %swap3A_330], %swap3A_333 {strides = array<i32>} : memref<1x4x2x4x32x1024xf32, #tpu.memory_space<vmem>>, vector<1x1x1x1x32x1024xf32>,
    %get3A_334 = arith.constant 0 : index
    %get3A_335 = arith.constant 3 : index
    %get3A_336 = arith.constant 0 : index
    %get3A_337 = arith.constant 0 : index
    %get3A_338 = arith.constant 0 : index
    %get3A_339 = arith.constant 0 : index
    %get3A_340 = vector.load %arg1[%get3A_334, %get3A_335, %get3A_336, %get3A_337, %get3A_338, %get3A_339] : memref<1x4x32x2x32x128xf32, #tpu.memory_space<vmem>>, vector<1x1x32x1x32x128xf32>
    %get3A_341 = vector.shape_cast %get3A_340 : vector<1x1x32x1x32x128xf32> to vector<32x32x128xf32>
    %reshape3A_342 = vector.shape_cast %get3A_341 : vector<32x32x128xf32> to vector<1024x128xf32>
    %dot_general3A_343 = arith.constant dense<0.000000e+00> : vector<1024x128xf32>
    %dot_general3A_344 = tpu.matmul %reshape3A_342, %get3A_1, %dot_general3A_343 {dimension_numbers = #tpu.dot_dimension_numbers<[1], [0], [0], [1], [0, 0, 1, 1], [], []>, precision = #tpu.contract_precision<fp32>, transpose_lhs_hint = false} : vector<1024x128xf32>, vector<128x128xf32>, vector<1024x128xf32> -> vector<1024x128xf32>
    %reshape3A_345 = vector.shape_cast %dot_general3A_344 : vector<1024x128xf32> to vector<32x32x128xf32>
    %slice3A_346 = vector.extract_strided_slice %reshape3A_345 {offsets = [0, 0, 0], sizes = [32, 32, 32], strides = [1, 1, 1]} : vector<32x32x128xf32> to vector<32x32x32xf32>
    %reshape3A_347 = vector.shape_cast %slice3A_346 : vector<32x32x32xf32> to vector<32x1024xf32>
    %swap3A_348 = arith.constant 0 : index
    %swap3A_349 = arith.constant 3 : index
    %swap3A_350 = arith.constant 0 : index
    %swap3A_351 = arith.constant 0 : index
    %swap3A_352 = arith.constant 0 : index
    %swap3A_353 = arith.constant 0 : index
    %swap3A_354 = vector.load %arg3[%swap3A_348, %swap3A_349, %swap3A_350, %swap3A_351, %swap3A_352, %swap3A_353] : memref<1x4x2x4x32x1024xf32, #tpu.memory_space<vmem>>, vector<1x1x1x1x32x1024xf32>
    %swap3A_355 = vector.shape_cast %swap3A_354 : vector<1x1x1x1x32x1024xf32> to vector<32x1024xf32>
    %swap3A_356 = vector.shape_cast %reshape3A_347 : vector<32x1024xf32> to vector<1x1x1x1x32x1024xf32>
    tpu.vector_store %arg3[%swap3A_348, %swap3A_349, %swap3A_350, %swap3A_351, %swap3A_352, %swap3A_353], %swap3A_356 {strides = array<i32>} : memref<1x4x2x4x32x1024xf32, #tpu.memory_space<vmem>>, vector<1x1x1x1x32x1024xf32>,
    %slice3A_357 = vector.extract_strided_slice %reshape3A_345 {offsets = [0, 0, 32], sizes = [32, 32, 32], strides = [1, 1, 1]} : vector<32x32x128xf32> to vector<32x32x32xf32>
    %reshape3A_358 = vector.shape_cast %slice3A_357 : vector<32x32x32xf32> to vector<32x1024xf32>
    %swap3A_359 = arith.constant 0 : index
    %swap3A_360 = arith.constant 3 : index
    %swap3A_361 = arith.constant 0 : index
    %swap3A_362 = arith.constant 1 : index
    %swap3A_363 = arith.constant 0 : index
    %swap3A_364 = arith.constant 0 : index
    %swap3A_365 = vector.load %arg3[%swap3A_359, %swap3A_360, %swap3A_361, %swap3A_362, %swap3A_363, %swap3A_364] : memref<1x4x2x4x32x1024xf32, #tpu.memory_space<vmem>>, vector<1x1x1x1x32x1024xf32>
    %swap3A_366 = vector.shape_cast %swap3A_365 : vector<1x1x1x1x32x1024xf32> to vector<32x1024xf32>
    %swap3A_367 = vector.shape_cast %reshape3A_358 : vector<32x1024xf32> to vector<1x1x1x1x32x1024xf32>
    tpu.vector_store %arg3[%swap3A_359, %swap3A_360, %swap3A_361, %swap3A_362, %swap3A_363, %swap3A_364], %swap3A_367 {strides = array<i32>} : memref<1x4x2x4x32x1024xf32, #tpu.memory_space<vmem>>, vector<1x1x1x1x32x1024xf32>,
    %slice3A_368 = vector.extract_strided_slice %reshape3A_345 {offsets = [0, 0, 64], sizes = [32, 32, 32], strides = [1, 1, 1]} : vector<32x32x128xf32> to vector<32x32x32xf32>
    %reshape3A_369 = vector.shape_cast %slice3A_368 : vector<32x32x32xf32> to vector<32x1024xf32>
    %swap3A_370 = arith.constant 0 : index
    %swap3A_371 = arith.constant 3 : index
    %swap3A_372 = arith.constant 0 : index
    %swap3A_373 = arith.constant 2 : index
    %swap3A_374 = arith.constant 0 : index
    %swap3A_375 = arith.constant 0 : index
    %swap3A_376 = vector.load %arg3[%swap3A_370, %swap3A_371, %swap3A_372, %swap3A_373, %swap3A_374, %swap3A_375] : memref<1x4x2x4x32x1024xf32, #tpu.memory_space<vmem>>, vector<1x1x1x1x32x1024xf32>
    %swap3A_377 = vector.shape_cast %swap3A_376 : vector<1x1x1x1x32x1024xf32> to vector<32x1024xf32>
    %swap3A_378 = vector.shape_cast %reshape3A_369 : vector<32x1024xf32> to vector<1x1x1x1x32x1024xf32>
    tpu.vector_store %arg3[%swap3A_370, %swap3A_371, %swap3A_372, %swap3A_373, %swap3A_374, %swap3A_375], %swap3A_378 {strides = array<i32>} : memref<1x4x2x4x32x1024xf32, #tpu.memory_space<vmem>>, vector<1x1x1x1x32x1024xf32>,
    %slice3A_379 = vector.extract_strided_slice %reshape3A_345 {offsets = [0, 0, 96], sizes = [32, 32, 32], strides = [1, 1, 1]} : vector<32x32x128xf32> to vector<32x32x32xf32>
    %reshape3A_380 = vector.shape_cast %slice3A_379 : vector<32x32x32xf32> to vector<32x1024xf32>
    %swap3A_381 = arith.constant 0 : index
    %swap3A_382 = arith.constant 3 : index
    %swap3A_383 = arith.constant 0 : index
    %swap3A_384 = arith.constant 3 : index
    %swap3A_385 = arith.constant 0 : index
    %swap3A_386 = arith.constant 0 : index
    %swap3A_387 = vector.load %arg3[%swap3A_381, %swap3A_382, %swap3A_383, %swap3A_384, %swap3A_385, %swap3A_386] : memref<1x4x2x4x32x1024xf32, #tpu.memory_space<vmem>>, vector<1x1x1x1x32x1024xf32>
    %swap3A_388 = vector.shape_cast %swap3A_387 : vector<1x1x1x1x32x1024xf32> to vector<32x1024xf32>
    %swap3A_389 = vector.shape_cast %reshape3A_380 : vector<32x1024xf32> to vector<1x1x1x1x32x1024xf32>
    tpu.vector_store %arg3[%swap3A_381, %swap3A_382, %swap3A_383, %swap3A_384, %swap3A_385, %swap3A_386], %swap3A_389 {strides = array<i32>} : memref<1x4x2x4x32x1024xf32, #tpu.memory_space<vmem>>, vector<1x1x1x1x32x1024xf32>,
    %get3A_390 = arith.constant 0 : index
    %get3A_391 = arith.constant 3 : index
    %get3A_392 = arith.constant 0 : index
    %get3A_393 = arith.constant 1 : index
    %get3A_394 = arith.constant 0 : index
    %get3A_395 = arith.constant 0 : index
    %get3A_396 = vector.load %arg1[%get3A_390, %get3A_391, %get3A_392, %get3A_393, %get3A_394, %get3A_395] : memref<1x4x32x2x32x128xf32, #tpu.memory_space<vmem>>, vector<1x1x32x1x32x128xf32>
    %get3A_397 = vector.shape_cast %get3A_396 : vector<1x1x32x1x32x128xf32> to vector<32x32x128xf32>
    %reshape3A_398 = vector.shape_cast %get3A_397 : vector<32x32x128xf32> to vector<1024x128xf32>
    %dot_general3A_399 = arith.constant dense<0.000000e+00> : vector<1024x128xf32>
    %dot_general3A_400 = tpu.matmul %reshape3A_398, %get3A_1, %dot_general3A_399 {dimension_numbers = #tpu.dot_dimension_numbers<[1], [0], [0], [1], [0, 0, 1, 1], [], []>, precision = #tpu.contract_precision<fp32>, transpose_lhs_hint = false} : vector<1024x128xf32>, vector<128x128xf32>, vector<1024x128xf32> -> vector<1024x128xf32>
    %reshape3A_401 = vector.shape_cast %dot_general3A_400 : vector<1024x128xf32> to vector<32x32x128xf32>
    %slice3A_402 = vector.extract_strided_slice %reshape3A_401 {offsets = [0, 0, 0], sizes = [32, 32, 32], strides = [1, 1, 1]} : vector<32x32x128xf32> to vector<32x32x32xf32>
    %reshape3A_403 = vector.shape_cast %slice3A_402 : vector<32x32x32xf32> to vector<32x1024xf32>
    %swap3A_404 = arith.constant 0 : index
    %swap3A_405 = arith.constant 3 : index
    %swap3A_406 = arith.constant 1 : index
    %swap3A_407 = arith.constant 0 : index
    %swap3A_408 = arith.constant 0 : index
    %swap3A_409 = arith.constant 0 : index
    %swap3A_410 = vector.load %arg3[%swap3A_404, %swap3A_405, %swap3A_406, %swap3A_407, %swap3A_408, %swap3A_409] : memref<1x4x2x4x32x1024xf32, #tpu.memory_space<vmem>>, vector<1x1x1x1x32x1024xf32>
    %swap3A_411 = vector.shape_cast %swap3A_410 : vector<1x1x1x1x32x1024xf32> to vector<32x1024xf32>
    %swap3A_412 = vector.shape_cast %reshape3A_403 : vector<32x1024xf32> to vector<1x1x1x1x32x1024xf32>
    tpu.vector_store %arg3[%swap3A_404, %swap3A_405, %swap3A_406, %swap3A_407, %swap3A_408, %swap3A_409], %swap3A_412 {strides = array<i32>} : memref<1x4x2x4x32x1024xf32, #tpu.memory_space<vmem>>, vector<1x1x1x1x32x1024xf32>,
    %slice3A_413 = vector.extract_strided_slice %reshape3A_401 {offsets = [0, 0, 32], sizes = [32, 32, 32], strides = [1, 1, 1]} : vector<32x32x128xf32> to vector<32x32x32xf32>
    %reshape3A_414 = vector.shape_cast %slice3A_413 : vector<32x32x32xf32> to vector<32x1024xf32>
    %swap3A_415 = arith.constant 0 : index
    %swap3A_416 = arith.constant 3 : index
    %swap3A_417 = arith.constant 1 : index
    %swap3A_418 = arith.constant 1 : index
    %swap3A_419 = arith.constant 0 : index
    %swap3A_420 = arith.constant 0 : index
    %swap3A_421 = vector.load %arg3[%swap3A_415, %swap3A_416, %swap3A_417, %swap3A_418, %swap3A_419, %swap3A_420] : memref<1x4x2x4x32x1024xf32, #tpu.memory_space<vmem>>, vector<1x1x1x1x32x1024xf32>
    %swap3A_422 = vector.shape_cast %swap3A_421 : vector<1x1x1x1x32x1024xf32> to vector<32x1024xf32>
    %swap3A_423 = vector.shape_cast %reshape3A_414 : vector<32x1024xf32> to vector<1x1x1x1x32x1024xf32>
    tpu.vector_store %arg3[%swap3A_415, %swap3A_416, %swap3A_417, %swap3A_418, %swap3A_419, %swap3A_420], %swap3A_423 {strides = array<i32>} : memref<1x4x2x4x32x1024xf32, #tpu.memory_space<vmem>>, vector<1x1x1x1x32x1024xf32>,
    %slice3A_424 = vector.extract_strided_slice %reshape3A_401 {offsets = [0, 0, 64], sizes = [32, 32, 32], strides = [1, 1, 1]} : vector<32x32x128xf32> to vector<32x32x32xf32>
    %reshape3A_425 = vector.shape_cast %slice3A_424 : vector<32x32x32xf32> to vector<32x1024xf32>
    %swap3A_426 = arith.constant 0 : index
    %swap3A_427 = arith.constant 3 : index
    %swap3A_428 = arith.constant 1 : index
    %swap3A_429 = arith.constant 2 : index
    %swap3A_430 = arith.constant 0 : index
    %swap3A_431 = arith.constant 0 : index
    %swap3A_432 = vector.load %arg3[%swap3A_426, %swap3A_427, %swap3A_428, %swap3A_429, %swap3A_430, %swap3A_431] : memref<1x4x2x4x32x1024xf32, #tpu.memory_space<vmem>>, vector<1x1x1x1x32x1024xf32>
    %swap3A_433 = vector.shape_cast %swap3A_432 : vector<1x1x1x1x32x1024xf32> to vector<32x1024xf32>
    %swap3A_434 = vector.shape_cast %reshape3A_425 : vector<32x1024xf32> to vector<1x1x1x1x32x1024xf32>
    tpu.vector_store %arg3[%swap3A_426, %swap3A_427, %swap3A_428, %swap3A_429, %swap3A_430, %swap3A_431], %swap3A_434 {strides = array<i32>} : memref<1x4x2x4x32x1024xf32, #tpu.memory_space<vmem>>, vector<1x1x1x1x32x1024xf32>,
    %slice3A_435 = vector.extract_strided_slice %reshape3A_401 {offsets = [0, 0, 96], sizes = [32, 32, 32], strides = [1, 1, 1]} : vector<32x32x128xf32> to vector<32x32x32xf32>
    %reshape3A_436 = vector.shape_cast %slice3A_435 : vector<32x32x32xf32> to vector<32x1024xf32>
    %swap3A_437 = arith.constant 0 : index
    %swap3A_438 = arith.constant 3 : index
    %swap3A_439 = arith.constant 1 : index
    %swap3A_440 = arith.constant 3 : index
    %swap3A_441 = arith.constant 0 : index
    %swap3A_442 = arith.constant 0 : index
    %swap3A_443 = vector.load %arg3[%swap3A_437, %swap3A_438, %swap3A_439, %swap3A_440, %swap3A_441, %swap3A_442] : memref<1x4x2x4x32x1024xf32, #tpu.memory_space<vmem>>, vector<1x1x1x1x32x1024xf32>
    %swap3A_444 = vector.shape_cast %swap3A_443 : vector<1x1x1x1x32x1024xf32> to vector<32x1024xf32>
    %swap3A_445 = vector.shape_cast %reshape3A_436 : vector<32x1024xf32> to vector<1x1x1x1x32x1024xf32>
    tpu.vector_store %arg3[%swap3A_437, %swap3A_438, %swap3A_439, %swap3A_440, %swap3A_441, %swap3A_442], %swap3A_445 {strides = array<i32>} : memref<1x4x2x4x32x1024xf32, #tpu.memory_space<vmem>>, vector<1x1x1x1x32x1024xf32>,
    return
  }
  func.func @transform_0(%arg0: i32) -> (i32, i32, i32, i32, i32, i32) {
    %c0_i32 = arith.constant 0 : i32
    %c0_i32_0 = arith.constant 0 : i32
    %c0_i32_1 = arith.constant 0 : i32
    %c0_i32_2 = arith.constant 0 : i32
    %c0_i32_3 = arith.constant 0 : i32
    %c0_i32_4 = arith.constant 0 : i32
    return %arg0, %c0_i32, %c0_i32_0, %c0_i32_1, %c0_i32_2, %c0_i32_3 : i32, i32, i32, i32, i32, i32
  }
  func.func @transform_1(%arg0: i32) -> (i32, i32) {
    %c0_i32 = arith.constant 0 : i32
    %c0_i32_0 = arith.constant 0 : i32
    %c0_i32_1 = arith.constant 0 : i32
    return %c0_i32, %c0_i32_0 : i32, i32
  }
  func.func @transform_2(%arg0: i32) -> (i32, i32, i32, i32, i32, i32) {
    %c0_i32 = arith.constant 0 : i32
    %c0_i32_0 = arith.constant 0 : i32
    %c0_i32_1 = arith.constant 0 : i32
    %c0_i32_2 = arith.constant 0 : i32
    %c0_i32_3 = arith.constant 0 : i32
    %c0_i32_4 = arith.constant 0 : i32
    return %arg0, %c0_i32, %c0_i32_0, %c0_i32_1, %c0_i32_2, %c0_i32_3 : i32, i32, i32, i32, i32, i32
  }
}

</mosaic_0001>

<sc_bundles>
// kernel: sparse-core-data-format-call.cloned.1.call-start
scs
called_computation_lowered:
.L_overlay_start_0:
0x0: {  	s2 =	sld [smem:$0x3FD9]  }
0x1: {  	s3 =	sld [smem:$0x3FFE];
	_ =	sdelay $0x1  }
0x2: {  	s1 =	srdreg.scid  }
0x3: {  	s0 =	sand.u32 $0x1, s1  }
0x4: {  	s18 =	sshll.u32 s0, $0xA;
	s2 =	sadd.s32 s3, s2  }
0x5: {  	s2 =	sadd.s32 s2, s18  }
0x6: {  	[smem:$0x3FC7] =	sst s2  }
0x7: {  	_ = 	snop  }
0x8: {  	s2 =	sld [smem:$0x3FD0];
	(tm) =	ssettm $0x1  }
0x9: {  	s19 =	sld [smem:$0x3FFB];
	_ =	sdelay $0x3  }
0xa: {  	_ =	strace s19  }
0xb: {  	s3 =	sld [smem:$0x3FFC];
	_ =	sdelay $0x3  }
0xc: {  	_ =	strace s3  }
0xd: {  	s3 =	sld [smem:$0x3FFD];
	_ =	sdelay $0x3  }
0xe: {  	_ =	strace s3  }
0xf: {  	_ =	strace $0x8FFFFFFF  }
0x10: {  	s20 =	sld [smem:$0x3FDB];
	_ =	sdelay $0x1  }
0x11: {  	s4 =	simm.s32 $_scs_section_size  }
0x12: {  	s5 =	simm.s32 $_size__tile_overlayer_lowered;
	s6 =	simm.s32 $_tile_overlayer_lowered  }
0x13: {  	s23 =	simm.s32 $0x1BFF;
	s22 =	sshll.u32 s6, $0x1;
	s3 =	sadd.s32 s4, s20  }
0x14: {  	s7 =	simm.s32 $0x0;
	s21 =	sshll.u32 s5, $0x1;
	s5 =	sadd.s32 s22, s3  }
0x15: {  	[timem:s7], [sflag:s23] =	dma.local [hbm:s5], s21  }
0x16: {  	_ =	swait.ge [sflag:s23], s21  }
0x17: {  	s4 =	ssub.s32 $0x0, s21;
	[sflag:s23] =	ssyncset.done $0x0  }
0x18: {  	[sflag:s23] =	ssyncadd.s32 s4;
	_ =	sdelay $0x1  }
0x19: {  	s24 =	simm.s32 $0x1B8B  }
0x1a: {  	_ =	swait.ge [sflag:s24], $0x1  }
0x1b: {  	[sflag:s24] =	ssyncset.done $0x0  }
0x1c: {  	s26 =	simm.s32 $0x1B8E;
	s25 =	sld [smem:$0x3FFE];
	[sflag:s24] =	ssyncadd.s32 $0xFFFFFFFF  }
0x1d: {  	s27 =	simm.s32 $execute0_lowered;
	[smem:$0x3FD2] =	sst s26  }
0x1e: {  	s5 =	sshll.u32 s27, $0x1;
	_ =	strace $0x80000046;
	[dreg:$0x1] =	wrdreg $0xFFFFFFFF  }
0x1f: {  	s28 =	simm.s32 $_size_execute0_lowered;
	s3 =	sadd.s32 s3, s5;
	[dreg:$0x0] =	wrdreg $0x0  }
0x20: {  	s5 =	sshll.u32 s28, $0x1;
	[dreg:$0x2] =	wrdreg s3  }
0x21: {  	[dreg:$0x3] =	wrdreg s5  }
0x22: {  	[dreg:$0x4] =	wrdreg $0xC0  }
0x23: {  	_ =	task [dreg:s7], $0x5FFFF  }
0x24: {  	[dreg:$0x1] =	wrdreg $0xFFFFFFFF  }
0x25: {  	[dreg:$0x0] =	wrdreg $0x60  }
0x26: {  	[dreg:$0x2] =	wrdreg s25  }
0x27: {  	[dreg:$0x3] =	wrdreg s2  }
0x28: {  	[dreg:$0x4] =	wrdreg $0x9  }
0x29: {  	_ =	task.clear_ibuf [dreg:s7], $0x5FFFF;
	_ =	strace $0x90000046  }
0x2a: {  	s29 =	simm.s32 $0x9;
	_ =	strace $0x80000048  }
0x2b: {  	_ =	swait.ge [sflag:s29], $0x1  }
0x2c: {  	[sflag:s29] =	ssyncadd.s32 $0xFFFFFFFF  }
0x2d: {  	_ =	strace $0x90000048  }
0x2e: {  	_ =	sfence  }
0x2f: {  	s30 =	sld [smem:$0x0];
	_ =	sdelay $0x2  }
0x30: {  	s31 =	sshll.u32 s1, $0xD;
	s1 =	sshrl.u32 s1, $0x2  }
0x31: {  	s3 =	sand.u32 $0x4000, s31;
	s1 =	sadd.s32 s1, s30  }
0x32: {  	s0 =	sor.u32 s3, s0;
	s1 =	sshll.u32 s1, $0x11  }
0x33: {  	s0 =	sor.u32 s1, s0  }
0x34: {  	s0 =	sadd.s32 $0x8F2B, s0  }
0x35: {  	[sflag:s0] =	ssyncadd.remote.s32 $0x1  }
0x36: {  	_ =	sfence.sel $0xFFFF  }
0x37: {  	[dreg:$0x0] =	wrdreg $0xFFFFFFFF;
	(pc) =	sbr.abs _section_cstart, $3  }
0x38: {  	[dreg:$0x1] =	wrdreg $0xFFFFFFFF  }
0x39: {  	_ =	task.clear_ibuf [dreg:s7], $0x2FFFF;
	_ =	strace $0x9FFFFFFF  }
0x3a: {  	(tm) =	ssettm $0x7FFFFFFF  }
0x3b: {  	_ =	shalt  }
tec
execute0_lowered:
.L_overlay_start_1:
0x0: {  	(tag) =	ssettag $0x1  }
0x1: {  	s5 =	rddreg [dreg:$0x0]  }
0x2: {  	s2 =	rddreg [dreg:$0x1];
	s1 =	stileid.u32  }
0x3: {  	s0 =	rddreg [dreg:$0x2];
	_ =	strace $0x80000047;
	s8 =	srdreg.scid  }
0x4: {  	s31 =	simm.s32 $0x2;
	s16 =	simm.s32 $0x0;
	p0 =	por $0x0, $0x0  }
0x5: {  	s18 =	simm.s32 $0x0;
	s17 =	simm.s32 $0x0;
	s19 =	simm.s32 $0x0  }
0x6: {  	s11 =	simm.s32 $0x0;
	s15 =	simm.s32 $0x0;
	s4 =	sshll.u32 s1, $0x6  }
0x7: {  	s3 =	sand.u32 $0x1, s1;
	s5 =	sadd.s32 $0x200600, s5;
	s4 =	sand.u32 $0x80, s4  }
0x8: {  	s8 =	sshll.u32 s8, $0x4;
	s6 =	ssub.s32 $0x2, s3;
	s7 =	ssub.s32 $0x100, s4  }
0x9: {  	s8 =	sand.u32 $0x10, s8;
	s9 =	sshrl.u32 s6, $0x1;
	s10 =	sshrl.u32 s7, $0x7  }
0xa: {  	s6 =	sand.u32 $0x1, s6;
	s7 =	sshrl.u32 s7, $0x8;
	s10 =	sand.u32 $0x1, s10  }
.Ltmp0:
0xb: {  	s9 =	sadd.s32 s6, s9;
	s7 =	sadd.s32 s7, s10;
	(pc) =	sbr.rel .LBB1_1-.Ltmp0, $4  }
0xc: {  	s14 =	smov.u32 s3;
	s6 =	simm.s32 $0x1;
	s9 =	smul.u32 s7, s9  }
0xd: {  	s30 =	sor.u32 s1, s8;
	s13 =	smov.u32 s4;
	[sflag:s6] =	ssyncpa.u1 $0x0  }
0xe: {  	[sflag:s31] =	ssyncpa.u1 $0x0;
	s7 =	sshrl.u32 s30, $0x2;
	s8 =	sshll.u32 s9, $0x7  }
0xf: {  	s10 =	simm.s32 $0x800;
	s12 =	smov.u32 s7;
	s9 =	sor.u32 $0x1, s8  }
.LBB1_4:
0x10: {  	s19 =	sshll.u32 s19, $0x14  }
0x11: {  	s22 =	sand.u32 $0x380, s17;
	s19 =	sadd.s32 s2, s19  }
0x12: {  	s18 =	sshll.u32 s18, $0xF;
	s23 =	sshrl.u32 s17, $0x3;
	s19 =	sadd.s32 s22, s19  }
0x13: {  	s31 =	sand.u32 $0x7, s17;
	s30 =	sand.u32 $0xF, s23;
	s18 =	sadd.s32 s18, s19  }
0x14: {  	s16 =	sshll.u32 s16, $0xA;
	s17 =	sshll.u32 s31, $0x12;
	s18 =	sadd.s32 s30, s18  }
0x15: {  	[tilespmem:s21+$0x0 ss:$0x81] =	vst.msk $0xffff, v0;
	s17 =	sor.u32 $0x400, s17;
	s16 =	sadd.s32 s16, s18  }
0x16: {  	[hbm4b:s16+s17] =	stream.strided.scatter [tilespmem:s20], [sflag:$0x2], $0x1000, s10, s17, $0x20;
	[tilespmem:$0x4040] =	vst v63  }
.LBB1_5:
0x17: {  	s20 =	sadd.s32 $0x1, s11  }
0x18: {  	s16 =	sadd.s32 $0x8, s12;
	s21 =	smov.u32 s12;
	p2 =	sgt.s32 s20, $0x1F  }
0x19: {  	s21 =	smov.u32 @p2 s16  }
0x1a: {  	s22 =	smov.u32 s13;
	s16 =	sadd.s32 $0x100, s13;
	p3 =	sgt.s32 s21, $0x1F  }
0x1b: {  	s22 =	smov.u32 @p3 s16  }
0x1c: {  	s23 =	smov.u32 s14;
	s16 =	sadd.s32 $0x2, s14;
	p4 =	sgt.s32 s22, $0xFF  }
0x1d: {  	p1 =	slt.u32 s15, $0x2;
	s23 =	smov.u32 @p4 s16  }
0x1e: {  	s18 =	smov.u32 s12;
	s20 =	simm.s32 @p2 $0x0;
	p2 =	sgt.s32 s23, $0x1  }
0x1f: {  	s24 =	simm.s32 @!p1 $0x2;
	s23 =	smov.u32 @p2 s3;
	p2 =	sne.s32 s15, s9  }
.Ltmp1:
0x20: {  	s17 =	smov.u32 s13;
	_ =	swait.ge @!p1 [sflag:s24], $0x1000;
	(pc) =	sbr.rel @!p2 .LBB1_6-.Ltmp1, $4  }
0x21: {  	s19 =	smov.u32 s14;
	[sflag:s24] =	ssyncset.done @!p1 $0x0;
	s21 =	smov.u32 @p3 s7  }
0x22: {  	p0 =	por !p0, !p0;
	[sflag:s24] =	ssyncadd.s32 @!p1 $0xFFFFF000;
	s12 =	smov.u32 s21  }
0x23: {  	s22 =	smov.u32 @p4 s4;
	s16 =	smov.u32 s11;
	s11 =	smov.u32 s20  }
0x24: {  	s13 =	smov.u32 s22;
	s15 =	sadd.s32 $0x1, s15;
	s14 =	smov.u32 s23  }
.LBB1_1:
0x25: {  	p1 =	sge.u32 s15, s8  }
0x26: {  	s31 =	sadd.s32 $0xFFFFFFFF, s15;
	s20 =	sxor.u32 @!p1 $0xFFFFFFFF, s15;
	s21 =	sshll.u32 @!p1 s14, $0x16  }
0x27: {  	s22 =	sshll.u32 @!p1 s13, $0xE;
	s23 =	sshll.u32 @!p1 s12, $0x9;
	s21 =	sadd.s32 @!p1 s5, s21  }
0x28: {  	s24 =	sshll.u32 @!p1 s11, $0x4;
	s20 =	sshll.u32 @!p1 s20, $0xC;
	s21 =	sadd.s32 @!p1 s22, s21  }
0x29: {  	s20 =	sand.u32 @!p1 $0x1000, s20;
	s22 =	sand.u32 @!p1 $0x1F0, s24;
	s21 =	sadd.s32 @!p1 s23, s21  }
0x2a: {  	s23 =	simm.s32 @!p1 $0x20000;
	s21 =	sadd.s32 @!p1 s22, s21;
	s22 =	simm.s32 @!p1 $0x20  }
0x2b: {  	[tilespmem:s20], [sflag:$0x1] =	stream.strided.gather @!p1 [hbm4b:s21+s22], $0x1000, s23, s22, $0x38;
	[tilespmem:$0x4040] =	vst v63  }
0x2c: {  	p1 =	sge.u32 s31, s8  }
.Ltmp2:
0x2d: {  	_ = 	snop;
	(pc) =	sbr.rel @p1 .LBB1_5-.Ltmp2, $1  }
0x2e: {  	_ =	sdelay $0x3  }
0x2f: {  	s20 =	simm.s32 $0x1  }
0x30: {  	_ =	swait.ge [sflag:s6], $0x1000;
	s20 =	simm.s32 @!p0 $0x0  }
0x31: {  	[sflag:s6] =	ssyncset.done $0x0;
	s21 =	sshll.u32 s20, $0xC  }
0x32: {  	[sflag:s6] =	ssyncadd.s32 $0xFFFFF000;
	s24 =	sor.u32 $0x10, s21  }
0x33: {  	s20 =	smul.u32 $0x4080, s20;
	v1 =	vld [tilespmem:s24+$0x0]  }
0x34: {  	s30 =	sand.u32 $0x1, s15;
	v0 =	vld [tilespmem:s24+$0xFFFFFFF0]  }
0x35: {  	s21 =	smul.u32 $0x4080, s30;
	s20 =	sshrl.u32 s20, $0x2  }
0x36: {  	s22 =	sor.u32 $0x2000, s20  }
0x37: {  	s31 =	sshrl.u32 s21, $0x2;
	s21 =	sadd.s32 $0x0, s22  }
0x38: {  	s23 =	simm.s32 $0x4;
	s24 =	sadd.s32 $0x20, s24;
	s20 =	sor.u32 $0x2000, s31;
	[tilespmem:s21+$0x810 ss:$0x81] =	vst.msk $0xffff, v1  }
.LBB1_3:
0x39: {  	v1 =	vld [tilespmem:s24+$0x0];
	p1 =	sne.s32 s23, $0x1FC;
	[tilespmem:s21+$0x0 ss:$0x81] =	vst.msk $0xffff, v0;
	s21 =	smov.u32 s23;
	s23 =	sadd.s32 $0x4, s23  }
.Ltmp3:
0x3a: {  	v0 =	vld [tilespmem:s24+$0xFFFFFFF0];
	(pc) =	sbr.rel @p1 .LBB1_3-.Ltmp3, $4  }
0x3b: {  	_ = 	snop  }
0x3c: {  	s21 =	sshra.s32 s21, $0x2  }
0x3d: {  	s21 =	sadd.s32 s21, s22  }
0x3e: {  	s24 =	sadd.s32 $0x20, s24;
	[tilespmem:s21+$0x810 ss:$0x81] =	vst.msk $0xffff, v1  }
.Ltmp4:
0x3f: {  	_ = 	snop;
	(pc) =	sbr.rel .LBB1_4-.Ltmp4, $1  }
0x40: {  	_ =	sdelay $0x3  }
.LBB1_6:
0x41: {  	_ =	sfence.sel $0x180000  }
0x42: {  	s2 =	simm.s32 $0x1;
	[bflag:$0x0] =	sbarrier.arrive $0xFFFF  }
0x43: {  	s31 =	simm.s32 $0x2;
	[sflag:s2] =	ssyncpa.u1 $0x1  }
0x44: {  	[sflag:s31] =	ssyncpa.u1 $0x1  }
0x45: {  	p0 =	sne.s32 s1, $0x0;
	_ =	strace $0x90000047  }
0x46: {  	s0 =	sadd.s32 @!p0 $0x100000, s0;
	[bflag:$0x2] =	sbarrier.arrive $0xFFFF  }
0x47: {  	[sflag:s0] =	ssyncadd.tile.s32 @!p0 $0x1;
	_ =	shalt  }
.Lfunc_end1:
_tile_overlayer_lowered:
.L_overlay_start_2:
0x48: {  	(tag) =	ssettag $0x2  }
0x49: {  	s0 =	rddreg [dreg:$0x0];
	s2 =	stileid.u32  }
0x4a: {  	s1 =	rddreg [dreg:$0x1];
	p0 =	sne.s32 s2, $0x0  }
0x4b: {  	s3 =	rddreg [dreg:$0x2];
	[bflag:$0x3] =	sbarrier.arrive $0xFFFF;
	s2 =	simm.s32 @!p0 $0x1C01  }
0x4c: {  	[timem:s3], [sflag:s2] =	dma.local @!p0 [hbm:s0], s1  }
0x4d: {  	s0 =	simm.s32 @!p0 $0x1  }
0x4e: {  	_ =	swait.ge @!p0 [sflag:s0], s1  }
0x4f: {  	s1 =	ssub.s32 @!p0 $0x0, s1;
	[sflag:s0] =	ssyncset.done @!p0 $0x0  }
0x50: {  	[sflag:s0] =	ssyncadd.s32 @!p0 s1  }
0x51: {  	[bflag:$0x3] =	sbarrier.arrive $0xFFFF  }
0x52: {  	_ =	shalt  }

</sc_bundles>
